<compile_context>
chip_gen: v7x
topology: tpu7x:2x2x1
jax: 0.10.2.dev20260603
libtpu: 0.0.44.dev20260713+nightly
codegen_flags: <defaults>
</compile_context>

<pallas_src>
import functools

import jax
from jax import lax
import jax.numpy as jnp
from jax.experimental import pallas as pl
from jax.experimental.pallas import tpu as pltpu
from jax.experimental.pallas import tpu_sc as plsc

_B, _D, _N, _TOPK = 4096, 2048, 64, 3
_TB1 = 1024
_TB3 = 2048
_NW = 32
_RW = _B // _NW
_L = 16


def _k1_body(x_ref, protos_ref, w1xt_ref, w1p_ref, b1_ref,
             simsT_ref, xw1_ref, ppw1b_ref):
    x = x_ref[...]
    protos = protos_ref[...]

    pn = protos / jnp.maximum(
        jnp.sqrt(jnp.sum(protos * protos, axis=1, keepdims=True)), 1e-12)
    nc = jnp.maximum(
        jnp.sqrt(jnp.sum(x * x, axis=1, keepdims=True)), 1e-12)
    rn = x / nc

    rhs = jnp.concatenate([pn, w1xt_ref[...]], axis=0)
    zt = jax.lax.dot_general(
        rhs, rn, (((1,), (1,)), ((), ())),
        preferred_element_type=jnp.float32)

    eye = (lax.broadcasted_iota(jnp.int32, (_TB1, _TB1), 0) ==
           lax.broadcasted_iota(jnp.int32, (_TB1, _TB1), 1)).astype(jnp.float32)
    ncT = jax.lax.dot_general(nc, eye, (((0,), (0,)), ((), ())),
                              preferred_element_type=jnp.float32)

    simsT_ref[...] = zt[:_N, :]
    xw1_ref[...] = zt[_N:, :] * ncT

    @pl.when(pl.program_id(0) == 0)
    def _():
        ppw1b_ref[...] = jax.lax.dot_general(
            protos, w1p_ref[...], (((1,), (0,)), ((), ())),
            preferred_element_type=jnp.float32) + b1_ref[...]


def _k1(x, protos, w1xt, w1p, b1r):
    return pl.pallas_call(
        _k1_body,
        grid=(_B // _TB1,),
        in_specs=[
            pl.BlockSpec((_TB1, _D), lambda i: (i, 0)),
            pl.BlockSpec((_N, _D), lambda i: (0, 0)),
            pl.BlockSpec((32, _D), lambda i: (0, 0)),
            pl.BlockSpec((_D, 32), lambda i: (0, 0)),
            pl.BlockSpec((1, 32), lambda i: (0, 0)),
        ],
        out_specs=[
            pl.BlockSpec((_N, _TB1), lambda i: (0, i)),
            pl.BlockSpec((32, _TB1), lambda i: (0, i)),
            pl.BlockSpec((_N, 32), lambda i: (0, 0)),
        ],
        out_shape=[
            jax.ShapeDtypeStruct((_N, _B), jnp.float32),
            jax.ShapeDtypeStruct((32, _B), jnp.float32),
            jax.ShapeDtypeStruct((_N, 32), jnp.float32),
        ],
        compiler_params=pltpu.CompilerParams(
            dimension_semantics=("arbitrary",)),
    )(x, protos, w1xt, w1p, b1r)


@functools.partial(
    pl.kernel,
    out_type=[
        jax.ShapeDtypeStruct((4, _B), jnp.int32),
        jax.ShapeDtypeStruct((4, _B), jnp.float32),
    ],
    mesh=plsc.VectorSubcoreMesh(core_axis_name="c", subcore_axis_name="s"),
    scratch_types=[
        pltpu.VMEM((_N, _RW), jnp.float32),
        pltpu.VMEM((4, _RW), jnp.int32),
        pltpu.VMEM((4, _RW), jnp.float32),
    ],
)
def _k2_sc(simsT_hbm, idx_hbm, wts_hbm, sims_v, idx_v, wts_v):
    wid = lax.axis_index("s") * 2 + lax.axis_index("c")
    base = wid * _RW
    pltpu.sync_copy(simsT_hbm.at[:, pl.ds(base, _RW)], sims_v)

    def group_body(g, _):
        col0 = pl.multiple_of(g * _L, _L)

        def body(n, carry):
            m1, m2, m3, i1, i2, i3 = carry
            c = sims_v[n, pl.ds(col0, _L)]
            nvec = jnp.full((_L,), 0, jnp.int32) + n
            is1 = c > m1
            is2 = c > m2
            is3 = c > m3
            m3n = jnp.where(is2, m2, jnp.where(is3, c, m3))
            i3n = jnp.where(is2, i2, jnp.where(is3, nvec, i3))
            m2n = jnp.where(is1, m1, jnp.where(is2, c, m2))
            i2n = jnp.where(is1, i1, jnp.where(is2, nvec, i2))
            m1n = jnp.where(is1, c, m1)
            i1n = jnp.where(is1, nvec, i1)
            return (m1n, m2n, m3n, i1n, i2n, i3n)

        neg = jnp.full((_L,), -jnp.inf, jnp.float32)
        zi = jnp.zeros((_L,), jnp.int32)
        m1, m2, m3, i1, i2, i3 = lax.fori_loop(
            0, _N, body, (neg, neg, neg, zi, zi, zi))

        e2 = jnp.exp(5.0 * (m2 - m1))
        e3 = jnp.exp(5.0 * (m3 - m1))
        den = 1.0 + e2 + e3
        idx_v[0, pl.ds(col0, _L)] = i1
        idx_v[1, pl.ds(col0, _L)] = i2
        idx_v[2, pl.ds(col0, _L)] = i3
        idx_v[3, pl.ds(col0, _L)] = zi
        wts_v[0, pl.ds(col0, _L)] = 1.0 / den
        wts_v[1, pl.ds(col0, _L)] = e2 / den
        wts_v[2, pl.ds(col0, _L)] = e3 / den
        wts_v[3, pl.ds(col0, _L)] = jnp.zeros((_L,), jnp.float32)
        return 0

    lax.fori_loop(0, _RW // _L, group_body, 0)

    pltpu.sync_copy(idx_v, idx_hbm.at[:, pl.ds(base, _RW)])
    pltpu.sync_copy(wts_v, wts_hbm.at[:, pl.ds(base, _RW)])


def _k3_body(xw1_ref, idx_ref, wts_ref, ppw1b_ref, w2_ref, b2_ref, out_ref):
    xw1 = xw1_ref[...]
    ppw1b = ppw1b_ref[...]
    iotaN = lax.broadcasted_iota(jnp.int32, (_N, _TB3), 0)
    hsum = jnp.zeros_like(xw1)
    for k in range(_TOPK):
        idx_k = idx_ref[k:k + 1, :]
        onehot = (iotaN == idx_k).astype(jnp.float32)
        pk = jax.lax.dot_general(ppw1b, onehot, (((0,), (0,)), ((), ())),
                                 preferred_element_type=jnp.float32)
        hsum = hsum + wts_ref[k:k + 1, :] * jnp.maximum(xw1 + pk, 0.0)
    out_ref[...] = jax.lax.dot_general(
        w2_ref[...], hsum, (((0,), (0,)), ((), ())),
        preferred_element_type=jnp.float32) + b2_ref[...]


def _k3(xw1T, idx4, wts4, ppw1b, W2, b2r):
    return pl.pallas_call(
        _k3_body,
        grid=(_B // _TB3,),
        in_specs=[
            pl.BlockSpec((32, _TB3), lambda i: (0, i)),
            pl.BlockSpec((4, _TB3), lambda i: (0, i)),
            pl.BlockSpec((4, _TB3), lambda i: (0, i)),
            pl.BlockSpec((_N, 32), lambda i: (0, 0)),
            pl.BlockSpec((32, 16), lambda i: (0, 0)),
            pl.BlockSpec((16, 1), lambda i: (0, 0)),
        ],
        out_specs=pl.BlockSpec((16, _TB3), lambda i: (0, i)),
        out_shape=jax.ShapeDtypeStruct((16, _B), jnp.float32),
        compiler_params=pltpu.CompilerParams(
            dimension_semantics=("arbitrary",)),
    )(xw1T, idx4, wts4, ppw1b, W2, b2r)


@jax.jit
def kernel(regime_vector, pattern_prototypes, W1, b1, W2, b2):
    w1xt = W1[:_D].T
    w1p = W1[_D:]
    b1r = b1.reshape(1, 32)
    b2c = b2.reshape(16, 1)
    simsT, xw1T, ppw1b = _k1(regime_vector, pattern_prototypes, w1xt, w1p, b1r)
    idx4, wts4 = _k2_sc(simsT)
    outT = _k3(xw1T, idx4, wts4, ppw1b, W2, b2c)
    return outT.T

# --- scband reference (transcript-rebuilt; emitter-appended) ---
"""Pipeline reference for scband-regime-pattern-bank-54992761258654 (READ-ONLY COPY).

The authoritative reference and input builder live on the scoring server;
editing this copy changes nothing except your own understanding.
"""

import jax, jax.numpy as jnp
import numpy as np

B, D, N, TOPK = 4096, 2048, 64, 3

def setup_inputs(seed: int = 0) -> dict:
    key = jax.random.key(seed)
    ks = jax.random.split(key, 5)
    regime_vector = jax.random.normal(ks[0], (B, D), dtype=jnp.float32)
    pattern_prototypes = jax.random.normal(ks[1], (N, D), dtype=jnp.float32) * 0.1
    W1 = jax.random.normal(ks[2], (2 * D, 32), dtype=jnp.float32) * (1.0 / np.sqrt(2 * D))
    b1 = jnp.zeros((32,), dtype=jnp.float32)
    W2 = jax.random.normal(ks[3], (32, 16), dtype=jnp.float32) * (1.0 / np.sqrt(32))
    b2 = jnp.zeros((16,), dtype=jnp.float32)
    return {"regime_vector": regime_vector, "pattern_prototypes": pattern_prototypes,
            "W1": W1, "b1": b1, "W2": W2, "b2": b2}

def _normalize(x, eps=1e-12):
    n = jnp.linalg.norm(x, axis=-1, keepdims=True)
    return x / jnp.maximum(n, eps)

def reference(regime_vector, pattern_prototypes, W1, b1, W2, b2):
    # cosine similarities to prototypes
    rn = _normalize(regime_vector)
    pn = _normalize(pattern_prototypes)
    similarities = rn @ pn.T                          # [B, N]
    top_sim, top_idx = jax.lax.top_k(similarities, TOPK)  # [B, 3]
    weights = jax.nn.softmax(top_sim * 5.0, axis=-1)      # [B, 3]
    # gather top-k prototypes (vectorized form of the per-batch loop)
    pats = jnp.take(pattern_prototypes, top_idx, axis=0)  # [B, 3, D]
    x_b = jnp.broadcast_to(regime_vector[:, None, :], pats.shape)
    combined = jnp.concatenate([x_b, pats], axis=-1)      # [B, 3, 2D]
    h = jax.nn.relu(combined @ W1 + b1)                   # [B, 3, 32]
    feats = h @ W2 + b2                                   # [B, 3, 16]
    pattern_features = jnp.sum(weights[..., None] * feats, axis=1)  # [B, 16]
    return pattern_features

if __name__ == "__main__":
    import jax
    _d = setup_inputs()
    print(jax.jit(kernel)(*tuple(_d.values())))

</pallas_src>

<mosaic_0001>
#map = affine_map<(d0, d1) -> (0, 0)>
module attributes {stable_mosaic.version = 14 : i64} {
  func.func @_k2_sc(%arg0: i32, %arg1: i32, %arg2: memref<64x4096xf32, #tpu.memory_space<hbm>>, %arg3: memref<4x4096xi32, #tpu.memory_space<hbm>>, %arg4: memref<4x4096xf32, #tpu.memory_space<hbm>>, %arg5: memref<64x128xf32, #tpu.memory_space<vmem>>, %arg6: memref<4x128xi32, #tpu.memory_space<vmem>>, %arg7: memref<4x128xf32, #tpu.memory_space<vmem>>) attributes {dimension_semantics = [#tpu.dimension_semantics<core_parallel>, #tpu.dimension_semantics<subcore_parallel>], iteration_bounds = array<i64: 2, 16>, scalar_prefetch = 0 : i64, scratch_operands = 3 : i64, tpu.core_type = #tpu.core_type<sc_vector_subcore>, window_params = [{transform_indices = #map}, {transform_indices = #map}, {transform_indices = #map}]} {
    %mul3A = arith.constant 2 : i32
    %mul3A_0 = arith.muli %arg1, %mul3A : i32
    %add3A = arith.addi %mul3A_0, %arg0 : i32
    %mul3A_1 = arith.constant 128 : i32
    %mul3A_2 = arith.muli %add3A, %mul3A_1 : i32
    "tpu.region"() ({
      %run_scoped3A = tpu.sem_alloc : memref<!tpu.dma_semaphore, #tpu.memory_space<semaphore_mem>>
      %dma_start3A = arith.constant 0 : i32
      %dma_start3A_9 = tpu.memref_slice %arg2[%dma_start3A, %mul3A_2] : memref<64x4096xf32, #tpu.memory_space<hbm>> -> memref<64x128xf32, #tpu.memory_space<hbm>>
      %dma_start3A_10 = arith.constant 0 : i32
      %dma_start3A_11 = tpu.memref_slice %arg2[%dma_start3A_10, %mul3A_2] : memref<64x4096xf32, #tpu.memory_space<hbm>> -> memref<64x128xf32, #tpu.memory_space<hbm>>
      tpu.enqueue_dma source(%dma_start3A_11 : memref<64x128xf32, #tpu.memory_space<hbm>>) target(%arg5 : memref<64x128xf32, #tpu.memory_space<vmem>>) target_semaphore(%run_scoped3A : memref<!tpu.dma_semaphore, #tpu.memory_space<semaphore_mem>>)
      %dma_wait3A = arith.constant 0 : i32
      %dma_wait3A_12 = tpu.memref_slice %arg2[%dma_wait3A, %mul3A_2] : memref<64x4096xf32, #tpu.memory_space<hbm>> -> memref<64x128xf32, #tpu.memory_space<hbm>>
      %dma_wait3A_13 = arith.constant 0 : i32
      %dma_wait3A_14 = tpu.memref_slice %arg2[%dma_wait3A_13, %mul3A_2] : memref<64x4096xf32, #tpu.memory_space<hbm>> -> memref<64x128xf32, #tpu.memory_space<hbm>>
      tpu.wait_dma2 semaphore(%run_scoped3A : memref<!tpu.dma_semaphore, #tpu.memory_space<semaphore_mem>>) src(%dma_wait3A_14 : memref<64x128xf32, #tpu.memory_space<hbm>>) dst(%arg5 : memref<64x128xf32, #tpu.memory_space<vmem>>)
      tpu.yield
    }) : () -> ()
    %scan3A = arith.constant 0 : i32
    %scan3A_3 = arith.constant 0 : i32
    %scan3A_4 = arith.constant 8 : i32
    %scan3A_5 = arith.addi %scan3A_3, %scan3A_4 : i32
    %scan3A_6 = arith.constant 1 : i32
    %scan3A_7 = scf.for %scan3A_9 = %scan3A_3 to %scan3A_5 step %scan3A_6 iter_args(%scan3A_10 = %scan3A) -> (i32)  : i32 {
      %mul3A_11 = arith.constant 16 : i32
      %mul3A_12 = arith.muli %scan3A_9, %mul3A_11 : i32
      %multiple_of3A = tpu.assume_multiple %mul3A_12, 16 : i32
      %broadcast_in_dim3A = arith.constant 0xFF800000 : f32
      %broadcast_in_dim3A_13 = vector.broadcast %broadcast_in_dim3A : f32 to vector<16xf32>
      %broadcast_in_dim3A_14 = arith.constant 0 : i32
      %broadcast_in_dim3A_15 = vector.broadcast %broadcast_in_dim3A_14 : i32 to vector<16xi32>
      %scan3A_16 = arith.constant 0 : i32
      %scan3A_17 = arith.constant 64 : i32
      %scan3A_18 = arith.addi %scan3A_16, %scan3A_17 : i32
      %scan3A_19 = arith.constant 1 : i32
      %scan3A_20:6 = scf.for %scan3A_88 = %scan3A_16 to %scan3A_18 step %scan3A_19 iter_args(%scan3A_89 = %broadcast_in_dim3A_13, %scan3A_90 = %broadcast_in_dim3A_13, %scan3A_91 = %broadcast_in_dim3A_13, %scan3A_92 = %broadcast_in_dim3A_15, %scan3A_93 = %broadcast_in_dim3A_15, %scan3A_94 = %broadcast_in_dim3A_15) -> (vector<16xf32>, vector<16xf32>, vector<16xf32>, vector<16xi32>, vector<16xi32>, vector<16xi32>)  : i32 {
        %get3A = arith.index_cast %scan3A_88 : i32 to index
        %get3A_95 = arith.index_cast %multiple_of3A : i32 to index
        %get3A_96 = tpu.vector_load %arg5[%get3A, %get3A_95] {strides = array<i32>} : memref<64x128xf32, #tpu.memory_space<vmem>>, vector<1x16xf32>,
        %get3A_97 = vector.shape_cast %get3A_96 : vector<1x16xf32> to vector<16xf32>
        %broadcast_in_dim3A_98 = arith.constant 0 : i32
        %broadcast_in_dim3A_99 = vector.broadcast %broadcast_in_dim3A_98 : i32 to vector<16xi32>
        %add3A_100 = vector.broadcast %scan3A_88 : i32 to vector<16xi32>
        %add3A_101 = arith.addi %broadcast_in_dim3A_99, %add3A_100 : vector<16xi32>
        %gt3A = arith.cmpf ogt, %get3A_97, %scan3A_89 : vector<16xf32>
        %gt3A_102 = arith.cmpf ogt, %get3A_97, %scan3A_90 : vector<16xf32>
        %gt3A_103 = arith.cmpf ogt, %get3A_97, %scan3A_91 : vector<16xf32>
        %select_n3A = arith.select %gt3A_103, %get3A_97, %scan3A_91 : vector<16xi1>, vector<16xf32>
        %select_n3A_104 = arith.select %gt3A_102, %scan3A_90, %select_n3A : vector<16xi1>, vector<16xf32>
        %select_n3A_105 = arith.select %gt3A_103, %add3A_101, %scan3A_94 : vector<16xi1>, vector<16xi32>
        %select_n3A_106 = arith.select %gt3A_102, %scan3A_93, %select_n3A_105 : vector<16xi1>, vector<16xi32>
        %select_n3A_107 = arith.select %gt3A_102, %get3A_97, %scan3A_90 : vector<16xi1>, vector<16xf32>
        %select_n3A_108 = arith.select %gt3A, %scan3A_89, %select_n3A_107 : vector<16xi1>, vector<16xf32>
        %select_n3A_109 = arith.select %gt3A_102, %add3A_101, %scan3A_93 : vector<16xi1>, vector<16xi32>
        %select_n3A_110 = arith.select %gt3A, %scan3A_92, %select_n3A_109 : vector<16xi1>, vector<16xi32>
        %select_n3A_111 = arith.select %gt3A, %get3A_97, %scan3A_89 : vector<16xi1>, vector<16xf32>
        %select_n3A_112 = arith.select %gt3A, %add3A_101, %scan3A_92 : vector<16xi1>, vector<16xi32>
        scf.yield %select_n3A_111, %select_n3A_108, %select_n3A_104, %select_n3A_112, %select_n3A_110, %select_n3A_106 : vector<16xf32>, vector<16xf32>, vector<16xf32>, vector<16xi32>, vector<16xi32>, vector<16xi32>
      }
      %scan3A_21 = arith.constant 64 : i32
      %sub3A = arith.subf %scan3A_20#1, %scan3A_20#0 : vector<16xf32>
      %mul3A_22 = arith.constant 5.000000e+00 : f32
      %mul3A_23 = vector.broadcast %mul3A_22 : f32 to vector<16xf32>
      %mul3A_24 = arith.mulf %mul3A_23, %sub3A : vector<16xf32>
      %exp3A = math.exp %mul3A_24 : vector<16xf32>
      %sub3A_25 = arith.subf %scan3A_20#2, %scan3A_20#0 : vector<16xf32>
      %mul3A_26 = arith.constant 5.000000e+00 : f32
      %mul3A_27 = vector.broadcast %mul3A_26 : f32 to vector<16xf32>
      %mul3A_28 = arith.mulf %mul3A_27, %sub3A_25 : vector<16xf32>
      %exp3A_29 = math.exp %mul3A_28 : vector<16xf32>
      %add3A_30 = arith.constant 1.000000e+00 : f32
      %add3A_31 = vector.broadcast %add3A_30 : f32 to vector<16xf32>
      %add3A_32 = arith.addf %add3A_31, %exp3A : vector<16xf32>
      %add3A_33 = arith.addf %add3A_32, %exp3A_29 : vector<16xf32>
      %swap3A = arith.constant 0 : i32
      %swap3A_34 = arith.index_cast %swap3A : i32 to index
      %swap3A_35 = arith.index_cast %multiple_of3A : i32 to index
      %swap3A_36 = tpu.vector_load %arg6[%swap3A_34, %swap3A_35] {strides = array<i32>} : memref<4x128xi32, #tpu.memory_space<vmem>>, vector<1x16xi32>,
      %swap3A_37 = vector.shape_cast %swap3A_36 : vector<1x16xi32> to vector<16xi32>
      %swap3A_38 = vector.shape_cast %scan3A_20#3 : vector<16xi32> to vector<1x16xi32>
      tpu.vector_store %arg6[%swap3A_34, %swap3A_35], %swap3A_38 {strides = array<i32>} : memref<4x128xi32, #tpu.memory_space<vmem>>, vector<1x16xi32>,
      %swap3A_39 = arith.constant 1 : i32
      %swap3A_40 = arith.index_cast %swap3A_39 : i32 to index
      %swap3A_41 = arith.index_cast %multiple_of3A : i32 to index
      %swap3A_42 = tpu.vector_load %arg6[%swap3A_40, %swap3A_41] {strides = array<i32>} : memref<4x128xi32, #tpu.memory_space<vmem>>, vector<1x16xi32>,
      %swap3A_43 = vector.shape_cast %swap3A_42 : vector<1x16xi32> to vector<16xi32>
      %swap3A_44 = vector.shape_cast %scan3A_20#4 : vector<16xi32> to vector<1x16xi32>
      tpu.vector_store %arg6[%swap3A_40, %swap3A_41], %swap3A_44 {strides = array<i32>} : memref<4x128xi32, #tpu.memory_space<vmem>>, vector<1x16xi32>,
      %swap3A_45 = arith.constant 2 : i32
      %swap3A_46 = arith.index_cast %swap3A_45 : i32 to index
      %swap3A_47 = arith.index_cast %multiple_of3A : i32 to index
      %swap3A_48 = tpu.vector_load %arg6[%swap3A_46, %swap3A_47] {strides = array<i32>} : memref<4x128xi32, #tpu.memory_space<vmem>>, vector<1x16xi32>,
      %swap3A_49 = vector.shape_cast %swap3A_48 : vector<1x16xi32> to vector<16xi32>
      %swap3A_50 = vector.shape_cast %scan3A_20#5 : vector<16xi32> to vector<1x16xi32>
      tpu.vector_store %arg6[%swap3A_46, %swap3A_47], %swap3A_50 {strides = array<i32>} : memref<4x128xi32, #tpu.memory_space<vmem>>, vector<1x16xi32>,
      %swap3A_51 = arith.constant 3 : i32
      %swap3A_52 = arith.index_cast %swap3A_51 : i32 to index
      %swap3A_53 = arith.index_cast %multiple_of3A : i32 to index
      %swap3A_54 = tpu.vector_load %arg6[%swap3A_52, %swap3A_53] {strides = array<i32>} : memref<4x128xi32, #tpu.memory_space<vmem>>, vector<1x16xi32>,
      %swap3A_55 = vector.shape_cast %swap3A_54 : vector<1x16xi32> to vector<16xi32>
      %swap3A_56 = vector.shape_cast %broadcast_in_dim3A_15 : vector<16xi32> to vector<1x16xi32>
      tpu.vector_store %arg6[%swap3A_52, %swap3A_53], %swap3A_56 {strides = array<i32>} : memref<4x128xi32, #tpu.memory_space<vmem>>, vector<1x16xi32>,
      %div3A = arith.constant 1.000000e+00 : f32
      %div3A_57 = vector.broadcast %div3A : f32 to vector<16xf32>
      %div3A_58 = arith.divf %div3A_57, %add3A_33 : vector<16xf32>
      %swap3A_59 = arith.constant 0 : i32
      %swap3A_60 = arith.index_cast %swap3A_59 : i32 to index
      %swap3A_61 = arith.index_cast %multiple_of3A : i32 to index
      %swap3A_62 = tpu.vector_load %arg7[%swap3A_60, %swap3A_61] {strides = array<i32>} : memref<4x128xf32, #tpu.memory_space<vmem>>, vector<1x16xf32>,
      %swap3A_63 = vector.shape_cast %swap3A_62 : vector<1x16xf32> to vector<16xf32>
      %swap3A_64 = vector.shape_cast %div3A_58 : vector<16xf32> to vector<1x16xf32>
      tpu.vector_store %arg7[%swap3A_60, %swap3A_61], %swap3A_64 {strides = array<i32>} : memref<4x128xf32, #tpu.memory_space<vmem>>, vector<1x16xf32>,
      %div3A_65 = arith.divf %exp3A, %add3A_33 : vector<16xf32>
      %swap3A_66 = arith.constant 1 : i32
      %swap3A_67 = arith.index_cast %swap3A_66 : i32 to index
      %swap3A_68 = arith.index_cast %multiple_of3A : i32 to index
      %swap3A_69 = tpu.vector_load %arg7[%swap3A_67, %swap3A_68] {strides = array<i32>} : memref<4x128xf32, #tpu.memory_space<vmem>>, vector<1x16xf32>,
      %swap3A_70 = vector.shape_cast %swap3A_69 : vector<1x16xf32> to vector<16xf32>
      %swap3A_71 = vector.shape_cast %div3A_65 : vector<16xf32> to vector<1x16xf32>
      tpu.vector_store %arg7[%swap3A_67, %swap3A_68], %swap3A_71 {strides = array<i32>} : memref<4x128xf32, #tpu.memory_space<vmem>>, vector<1x16xf32>,
      %div3A_72 = arith.divf %exp3A_29, %add3A_33 : vector<16xf32>
      %swap3A_73 = arith.constant 2 : i32
      %swap3A_74 = arith.index_cast %swap3A_73 : i32 to index
      %swap3A_75 = arith.index_cast %multiple_of3A : i32 to index
      %swap3A_76 = tpu.vector_load %arg7[%swap3A_74, %swap3A_75] {strides = array<i32>} : memref<4x128xf32, #tpu.memory_space<vmem>>, vector<1x16xf32>,
      %swap3A_77 = vector.shape_cast %swap3A_76 : vector<1x16xf32> to vector<16xf32>
      %swap3A_78 = vector.shape_cast %div3A_72 : vector<16xf32> to vector<1x16xf32>
      tpu.vector_store %arg7[%swap3A_74, %swap3A_75], %swap3A_78 {strides = array<i32>} : memref<4x128xf32, #tpu.memory_space<vmem>>, vector<1x16xf32>,
      %broadcast_in_dim3A_79 = arith.constant 0.000000e+00 : f32
      %broadcast_in_dim3A_80 = vector.broadcast %broadcast_in_dim3A_79 : f32 to vector<16xf32>
      %swap3A_81 = arith.constant 3 : i32
      %swap3A_82 = arith.index_cast %swap3A_81 : i32 to index
      %swap3A_83 = arith.index_cast %multiple_of3A : i32 to index
      %swap3A_84 = tpu.vector_load %arg7[%swap3A_82, %swap3A_83] {strides = array<i32>} : memref<4x128xf32, #tpu.memory_space<vmem>>, vector<1x16xf32>,
      %swap3A_85 = vector.shape_cast %swap3A_84 : vector<1x16xf32> to vector<16xf32>
      %swap3A_86 = vector.shape_cast %broadcast_in_dim3A_80 : vector<16xf32> to vector<1x16xf32>
      tpu.vector_store %arg7[%swap3A_82, %swap3A_83], %swap3A_86 {strides = array<i32>} : memref<4x128xf32, #tpu.memory_space<vmem>>, vector<1x16xf32>,
      %scan3A_87 = arith.constant 0 : i32
      scf.yield %scan3A_87 : i32
    }
    %scan3A_8 = arith.constant 8 : i32
    "tpu.region"() ({
      %run_scoped3A = tpu.sem_alloc : memref<!tpu.dma_semaphore, #tpu.memory_space<semaphore_mem>>
      %dma_start3A = arith.constant 0 : i32
      %dma_start3A_9 = tpu.memref_slice %arg3[%dma_start3A, %mul3A_2] : memref<4x4096xi32, #tpu.memory_space<hbm>> -> memref<4x128xi32, #tpu.memory_space<hbm>>
      %dma_start3A_10 = arith.constant 0 : i32
      %dma_start3A_11 = tpu.memref_slice %arg3[%dma_start3A_10, %mul3A_2] : memref<4x4096xi32, #tpu.memory_space<hbm>> -> memref<4x128xi32, #tpu.memory_space<hbm>>
      tpu.enqueue_dma source(%arg6 : memref<4x128xi32, #tpu.memory_space<vmem>>) target(%dma_start3A_11 : memref<4x128xi32, #tpu.memory_space<hbm>>) target_semaphore(%run_scoped3A : memref<!tpu.dma_semaphore, #tpu.memory_space<semaphore_mem>>)
      %dma_wait3A = arith.constant 0 : i32
      %dma_wait3A_12 = tpu.memref_slice %arg3[%dma_wait3A, %mul3A_2] : memref<4x4096xi32, #tpu.memory_space<hbm>> -> memref<4x128xi32, #tpu.memory_space<hbm>>
      %dma_wait3A_13 = arith.constant 0 : i32
      %dma_wait3A_14 = tpu.memref_slice %arg3[%dma_wait3A_13, %mul3A_2] : memref<4x4096xi32, #tpu.memory_space<hbm>> -> memref<4x128xi32, #tpu.memory_space<hbm>>
      tpu.wait_dma2 semaphore(%run_scoped3A : memref<!tpu.dma_semaphore, #tpu.memory_space<semaphore_mem>>) src(%arg6 : memref<4x128xi32, #tpu.memory_space<vmem>>) dst(%dma_wait3A_14 : memref<4x128xi32, #tpu.memory_space<hbm>>)
      tpu.yield
    }) : () -> ()
    "tpu.region"() ({
      %run_scoped3A = tpu.sem_alloc : memref<!tpu.dma_semaphore, #tpu.memory_space<semaphore_mem>>
      %dma_start3A = arith.constant 0 : i32
      %dma_start3A_9 = tpu.memref_slice %arg4[%dma_start3A, %mul3A_2] : memref<4x4096xf32, #tpu.memory_space<hbm>> -> memref<4x128xf32, #tpu.memory_space<hbm>>
      %dma_start3A_10 = arith.constant 0 : i32
      %dma_start3A_11 = tpu.memref_slice %arg4[%dma_start3A_10, %mul3A_2] : memref<4x4096xf32, #tpu.memory_space<hbm>> -> memref<4x128xf32, #tpu.memory_space<hbm>>
      tpu.enqueue_dma source(%arg7 : memref<4x128xf32, #tpu.memory_space<vmem>>) target(%dma_start3A_11 : memref<4x128xf32, #tpu.memory_space<hbm>>) target_semaphore(%run_scoped3A : memref<!tpu.dma_semaphore, #tpu.memory_space<semaphore_mem>>)
      %dma_wait3A = arith.constant 0 : i32
      %dma_wait3A_12 = tpu.memref_slice %arg4[%dma_wait3A, %mul3A_2] : memref<4x4096xf32, #tpu.memory_space<hbm>> -> memref<4x128xf32, #tpu.memory_space<hbm>>
      %dma_wait3A_13 = arith.constant 0 : i32
      %dma_wait3A_14 = tpu.memref_slice %arg4[%dma_wait3A_13, %mul3A_2] : memref<4x4096xf32, #tpu.memory_space<hbm>> -> memref<4x128xf32, #tpu.memory_space<hbm>>
      tpu.wait_dma2 semaphore(%run_scoped3A : memref<!tpu.dma_semaphore, #tpu.memory_space<semaphore_mem>>) src(%arg7 : memref<4x128xf32, #tpu.memory_space<vmem>>) dst(%dma_wait3A_14 : memref<4x128xf32, #tpu.memory_space<hbm>>)
      tpu.yield
    }) : () -> ()
    return
  }
}

module attributes {stable_mosaic.version = 14 : i64} {
  func.func @_k1_body(%arg0: i32, %arg1: memref<1024x2048xf32, #tpu.memory_space<vmem>>, %arg2: memref<64x2048xf32, #tpu.memory_space<vmem>>, %arg3: memref<32x2048xf32, #tpu.memory_space<vmem>>, %arg4: memref<2048x32xf32, #tpu.memory_space<vmem>>, %arg5: memref<1x32xf32, #tpu.memory_space<vmem>>, %arg6: memref<64x1024xf32, #tpu.memory_space<vmem>>, %arg7: memref<32x1024xf32, #tpu.memory_space<vmem>>, %arg8: memref<64x32xf32, #tpu.memory_space<vmem>>) attributes {dimension_semantics = [#tpu.dimension_semantics<arbitrary>], iteration_bounds = array<i64: 4>, scalar_prefetch = 0 : i64, scratch_operands = 0 : i64, tpu.core_type = #tpu.core_type<tc>, window_params = [{transform_indices = @transform_0, window_bounds = array<i64: 1024, 2048>}, {pipeline_mode = #tpu.pipeline_mode<synchronous>, transform_indices = @transform_1, window_bounds = array<i64: 64, 2048>}, {pipeline_mode = #tpu.pipeline_mode<synchronous>, transform_indices = @transform_2, window_bounds = array<i64: 32, 2048>}, {pipeline_mode = #tpu.pipeline_mode<synchronous>, transform_indices = @transform_3, window_bounds = array<i64: 2048, 32>}, {pipeline_mode = #tpu.pipeline_mode<synchronous>, transform_indices = @transform_4, window_bounds = array<i64: 1, 32>}, {transform_indices = @transform_5, window_bounds = array<i64: 64, 1024>}, {transform_indices = @transform_6, window_bounds = array<i64: 32, 1024>}, {pipeline_mode = #tpu.pipeline_mode<synchronous>, transform_indices = @transform_7, window_bounds = array<i64: 64, 32>}]} {
    %get3A = arith.constant 0 : index
    %get3A_0 = arith.constant 0 : index
    %get3A_1 = vector.load %arg1[%get3A, %get3A_0] : memref<1024x2048xf32, #tpu.memory_space<vmem>>, vector<1024x2048xf32>
    %get3A_2 = arith.constant 0 : index
    %get3A_3 = arith.constant 0 : index
    %get3A_4 = vector.load %arg2[%get3A_2, %get3A_3] : memref<64x2048xf32, #tpu.memory_space<vmem>>, vector<64x2048xf32>
    %mul3A = arith.mulf %get3A_4, %get3A_4 : vector<64x2048xf32>
    %reduce_sum3A = arith.constant dense<0.000000e+00> : vector<64xf32>
    %reduce_sum3A_5 = vector.multi_reduction <add>, %mul3A, %reduce_sum3A [1] : vector<64x2048xf32> to vector<64xf32>
    %broadcast_in_dim3A = vector.shape_cast %reduce_sum3A_5 : vector<64xf32> to vector<64x1xf32>
    %sqrt3A = math.sqrt %broadcast_in_dim3A : vector<64x1xf32>
    %max3A = arith.constant 9.99999996E-13 : f32
    %max3A_6 = vector.broadcast %max3A : f32 to vector<64x1xf32>
    %max3A_7 = arith.maximumf %sqrt3A, %max3A_6 : vector<64x1xf32>
    %div3A = vector.broadcast %max3A_7 : vector<64x1xf32> to vector<64x2048xf32>
    %div3A_8 = arith.divf %get3A_4, %div3A : vector<64x2048xf32>
    %mul3A_9 = arith.mulf %get3A_1, %get3A_1 : vector<1024x2048xf32>
    %reduce_sum3A_10 = arith.constant dense<0.000000e+00> : vector<1024xf32>
    %reduce_sum3A_11 = vector.multi_reduction <add>, %mul3A_9, %reduce_sum3A_10 [1] : vector<1024x2048xf32> to vector<1024xf32>
    %broadcast_in_dim3A_12 = vector.shape_cast %reduce_sum3A_11 : vector<1024xf32> to vector<1024x1xf32>
    %sqrt3A_13 = math.sqrt %broadcast_in_dim3A_12 : vector<1024x1xf32>
    %max3A_14 = arith.constant 9.99999996E-13 : f32
    %max3A_15 = vector.broadcast %max3A_14 : f32 to vector<1024x1xf32>
    %max3A_16 = arith.maximumf %sqrt3A_13, %max3A_15 : vector<1024x1xf32>
    %div3A_17 = vector.broadcast %max3A_16 : vector<1024x1xf32> to vector<1024x2048xf32>
    %div3A_18 = arith.divf %get3A_1, %div3A_17 : vector<1024x2048xf32>
    %get3A_19 = arith.constant 0 : index
    %get3A_20 = arith.constant 0 : index
    %get3A_21 = vector.load %arg3[%get3A_19, %get3A_20] : memref<32x2048xf32, #tpu.memory_space<vmem>>, vector<32x2048xf32>
    %concatenate3A = tpu.concatenate %div3A_8, %get3A_21 in 0 : vector<64x2048xf32>, vector<32x2048xf32> -> vector<96x2048xf32>
    %dot_general3A = arith.constant dense<0.000000e+00> : vector<96x1024xf32>
    %dot_general3A_22 = tpu.matmul %concatenate3A, %div3A_18, %dot_general3A {dimension_numbers = #tpu.dot_dimension_numbers<[1], [1], [0], [0], [0, 0, 1, 0], [], []>, transpose_lhs_hint = false} : vector<96x2048xf32>, vector<1024x2048xf32>, vector<96x1024xf32> -> vector<96x1024xf32>
    %iota3A = tpu.iota {dimensions = array<i32: 0>} : vector<1024x1024xi32>
    %iota3A_23 = tpu.iota {dimensions = array<i32: 1>} : vector<1024x1024xi32>
    %eq3A = arith.cmpi eq, %iota3A, %iota3A_23 : vector<1024x1024xi32>
    %convert_element_type3A = arith.extui %eq3A : vector<1024x1024xi1> to vector<1024x1024xi32>
    %convert_element_type3A_24 = arith.sitofp %convert_element_type3A : vector<1024x1024xi32> to vector<1024x1024xf32>
    %dot_general3A_25 = arith.constant dense<0.000000e+00> : vector<1x1024xf32>
    %dot_general3A_26 = tpu.matmul %max3A_16, %convert_element_type3A_24, %dot_general3A_25 {dimension_numbers = #tpu.dot_dimension_numbers<[0], [0], [1], [1], [0, 1, 1, 1], [], []>, transpose_lhs_hint = false} : vector<1024x1xf32>, vector<1024x1024xf32>, vector<1x1024xf32> -> vector<1x1024xf32>
    %slice3A = vector.extract_strided_slice %dot_general3A_22 {offsets = [0, 0], sizes = [64, 1024], strides = [1, 1]} : vector<96x1024xf32> to vector<64x1024xf32>
    %swap3A = arith.constant 0 : index
    %swap3A_27 = arith.constant 0 : index
    %swap3A_28 = vector.load %arg6[%swap3A, %swap3A_27] : memref<64x1024xf32, #tpu.memory_space<vmem>>, vector<64x1024xf32>
    tpu.vector_store %arg6[%swap3A, %swap3A_27], %slice3A {strides = array<i32>} : memref<64x1024xf32, #tpu.memory_space<vmem>>, vector<64x1024xf32>,
    %slice3A_29 = vector.extract_strided_slice %dot_general3A_22 {offsets = [64, 0], sizes = [32, 1024], strides = [1, 1]} : vector<96x1024xf32> to vector<32x1024xf32>
    %mul3A_30 = vector.broadcast %dot_general3A_26 : vector<1x1024xf32> to vector<32x1024xf32>
    %mul3A_31 = arith.mulf %slice3A_29, %mul3A_30 : vector<32x1024xf32>
    %swap3A_32 = arith.constant 0 : index
    %swap3A_33 = arith.constant 0 : index
    %swap3A_34 = vector.load %arg7[%swap3A_32, %swap3A_33] : memref<32x1024xf32, #tpu.memory_space<vmem>>, vector<32x1024xf32>
    tpu.vector_store %arg7[%swap3A_32, %swap3A_33], %mul3A_31 {strides = array<i32>} : memref<32x1024xf32, #tpu.memory_space<vmem>>, vector<32x1024xf32>,
    %eq3A_35 = arith.constant 0 : i32
    %eq3A_36 = arith.cmpi eq, %arg0, %eq3A_35 : i32
    %convert_element_type3A_37 = arith.extui %eq3A_36 : i1 to i32
    %cond3A = arith.constant 0 : i32
    %cond3A_38 = arith.cmpi ne, %convert_element_type3A_37, %cond3A : i32
    scf.if %cond3A_38 {
      %get3A_39 = arith.constant 0 : index
      %get3A_40 = arith.constant 0 : index
      %get3A_41 = vector.load %arg4[%get3A_39, %get3A_40] : memref<2048x32xf32, #tpu.memory_space<vmem>>, vector<2048x32xf32>
      %dot_general3A_42 = arith.constant dense<0.000000e+00> : vector<64x32xf32>
      %dot_general3A_43 = tpu.matmul %get3A_4, %get3A_41, %dot_general3A_42 {dimension_numbers = #tpu.dot_dimension_numbers<[1], [0], [0], [1], [0, 0, 1, 1], [], []>, transpose_lhs_hint = false} : vector<64x2048xf32>, vector<2048x32xf32>, vector<64x32xf32> -> vector<64x32xf32>
      %get3A_44 = arith.constant 0 : index
      %get3A_45 = arith.constant 0 : index
      %get3A_46 = vector.load %arg5[%get3A_44, %get3A_45] : memref<1x32xf32, #tpu.memory_space<vmem>>, vector<1x32xf32>
      %add3A = vector.broadcast %get3A_46 : vector<1x32xf32> to vector<64x32xf32>
      %add3A_47 = arith.addf %dot_general3A_43, %add3A : vector<64x32xf32>
      %swap3A_48 = arith.constant 0 : index
      %swap3A_49 = arith.constant 0 : index
      %swap3A_50 = vector.load %arg8[%swap3A_48, %swap3A_49] : memref<64x32xf32, #tpu.memory_space<vmem>>, vector<64x32xf32>
      tpu.vector_store %arg8[%swap3A_48, %swap3A_49], %add3A_47 {strides = array<i32>} : memref<64x32xf32, #tpu.memory_space<vmem>>, vector<64x32xf32>,
    } else {
    }
    return
  }
  func.func @transform_0(%arg0: i32) -> (i32, i32) {
    %c0_i32 = arith.constant 0 : i32
    %c0_i32_0 = arith.constant 0 : i32
    return %arg0, %c0_i32 : i32, i32
  }
  func.func @transform_1(%arg0: i32) -> (i32, i32) {
    %c0_i32 = arith.constant 0 : i32
    %c0_i32_0 = arith.constant 0 : i32
    %c0_i32_1 = arith.constant 0 : i32
    return %c0_i32, %c0_i32_0 : i32, i32
  }
  func.func @transform_2(%arg0: i32) -> (i32, i32) {
    %c0_i32 = arith.constant 0 : i32
    %c0_i32_0 = arith.constant 0 : i32
    %c0_i32_1 = arith.constant 0 : i32
    return %c0_i32, %c0_i32_0 : i32, i32
  }
  func.func @transform_3(%arg0: i32) -> (i32, i32) {
    %c0_i32 = arith.constant 0 : i32
    %c0_i32_0 = arith.constant 0 : i32
    %c0_i32_1 = arith.constant 0 : i32
    return %c0_i32, %c0_i32_0 : i32, i32
  }
  func.func @transform_4(%arg0: i32) -> (i32, i32) {
    %c0_i32 = arith.constant 0 : i32
    %c0_i32_0 = arith.constant 0 : i32
    %c0_i32_1 = arith.constant 0 : i32
    return %c0_i32, %c0_i32_0 : i32, i32
  }
  func.func @transform_5(%arg0: i32) -> (i32, i32) {
    %c0_i32 = arith.constant 0 : i32
    %c0_i32_0 = arith.constant 0 : i32
    return %c0_i32, %arg0 : i32, i32
  }
  func.func @transform_6(%arg0: i32) -> (i32, i32) {
    %c0_i32 = arith.constant 0 : i32
    %c0_i32_0 = arith.constant 0 : i32
    return %c0_i32, %arg0 : i32, i32
  }
  func.func @transform_7(%arg0: i32) -> (i32, i32) {
    %c0_i32 = arith.constant 0 : i32
    %c0_i32_0 = arith.constant 0 : i32
    %c0_i32_1 = arith.constant 0 : i32
    return %c0_i32, %c0_i32_0 : i32, i32
  }
}

module attributes {stable_mosaic.version = 14 : i64} {
  func.func @_k3_body(%arg0: i32, %arg1: memref<32x2048xf32, #tpu.memory_space<vmem>>, %arg2: memref<4x2048xi32, #tpu.memory_space<vmem>>, %arg3: memref<4x2048xf32, #tpu.memory_space<vmem>>, %arg4: memref<64x32xf32, #tpu.memory_space<vmem>>, %arg5: memref<32x16xf32, #tpu.memory_space<vmem>>, %arg6: memref<16x1xf32, #tpu.memory_space<vmem>>, %arg7: memref<16x2048xf32, #tpu.memory_space<vmem>>) attributes {dimension_semantics = [#tpu.dimension_semantics<arbitrary>], iteration_bounds = array<i64: 2>, scalar_prefetch = 0 : i64, scratch_operands = 0 : i64, tpu.core_type = #tpu.core_type<tc>, window_params = [{transform_indices = @transform_0, window_bounds = array<i64: 32, 2048>}, {transform_indices = @transform_1, window_bounds = array<i64: 4, 2048>}, {transform_indices = @transform_2, window_bounds = array<i64: 4, 2048>}, {pipeline_mode = #tpu.pipeline_mode<synchronous>, transform_indices = @transform_3, window_bounds = array<i64: 64, 32>}, {pipeline_mode = #tpu.pipeline_mode<synchronous>, transform_indices = @transform_4, window_bounds = array<i64: 32, 16>}, {pipeline_mode = #tpu.pipeline_mode<synchronous>, transform_indices = @transform_5, window_bounds = array<i64: 16, 1>}, {transform_indices = @transform_6, window_bounds = array<i64: 16, 2048>}]} {
    %get3A = arith.constant 0 : index
    %get3A_0 = arith.constant 0 : index
    %get3A_1 = vector.load %arg1[%get3A, %get3A_0] : memref<32x2048xf32, #tpu.memory_space<vmem>>, vector<32x2048xf32>
    %get3A_2 = arith.constant 0 : index
    %get3A_3 = arith.constant 0 : index
    %get3A_4 = vector.load %arg4[%get3A_2, %get3A_3] : memref<64x32xf32, #tpu.memory_space<vmem>>, vector<64x32xf32>
    %iota3A = tpu.iota {dimensions = array<i32: 0>} : vector<64x2048xi32>
    %broadcast_in_dim3A = arith.constant 0.000000e+00 : f32
    %broadcast_in_dim3A_5 = vector.broadcast %broadcast_in_dim3A : f32 to vector<32x2048xf32>
    %get3A_6 = arith.constant 0 : index
    %get3A_7 = arith.constant 0 : index
    %get3A_8 = vector.load %arg2[%get3A_6, %get3A_7] : memref<4x2048xi32, #tpu.memory_space<vmem>>, vector<1x2048xi32>
    %eq3A = vector.broadcast %get3A_8 : vector<1x2048xi32> to vector<64x2048xi32>
    %eq3A_9 = arith.cmpi eq, %iota3A, %eq3A : vector<64x2048xi32>
    %convert_element_type3A = arith.extui %eq3A_9 : vector<64x2048xi1> to vector<64x2048xi32>
    %convert_element_type3A_10 = arith.sitofp %convert_element_type3A : vector<64x2048xi32> to vector<64x2048xf32>
    %dot_general3A = arith.constant dense<0.000000e+00> : vector<32x2048xf32>
    %dot_general3A_11 = tpu.matmul %get3A_4, %convert_element_type3A_10, %dot_general3A {dimension_numbers = #tpu.dot_dimension_numbers<[0], [0], [1], [1], [0, 1, 1, 1], [], []>, transpose_lhs_hint = false} : vector<64x32xf32>, vector<64x2048xf32>, vector<32x2048xf32> -> vector<32x2048xf32>
    %get3A_12 = arith.constant 0 : index
    %get3A_13 = arith.constant 0 : index
    %get3A_14 = vector.load %arg3[%get3A_12, %get3A_13] : memref<4x2048xf32, #tpu.memory_space<vmem>>, vector<1x2048xf32>
    %add3A = arith.addf %get3A_1, %dot_general3A_11 : vector<32x2048xf32>
    %max3A = arith.constant 0.000000e+00 : f32
    %max3A_15 = vector.broadcast %max3A : f32 to vector<32x2048xf32>
    %max3A_16 = arith.maximumf %add3A, %max3A_15 : vector<32x2048xf32>
    %mul3A = vector.broadcast %get3A_14 : vector<1x2048xf32> to vector<32x2048xf32>
    %mul3A_17 = arith.mulf %mul3A, %max3A_16 : vector<32x2048xf32>
    %add3A_18 = arith.addf %broadcast_in_dim3A_5, %mul3A_17 : vector<32x2048xf32>
    %get3A_19 = arith.constant 1 : index
    %get3A_20 = arith.constant 0 : index
    %get3A_21 = vector.load %arg2[%get3A_19, %get3A_20] : memref<4x2048xi32, #tpu.memory_space<vmem>>, vector<1x2048xi32>
    %eq3A_22 = vector.broadcast %get3A_21 : vector<1x2048xi32> to vector<64x2048xi32>
    %eq3A_23 = arith.cmpi eq, %iota3A, %eq3A_22 : vector<64x2048xi32>
    %convert_element_type3A_24 = arith.extui %eq3A_23 : vector<64x2048xi1> to vector<64x2048xi32>
    %convert_element_type3A_25 = arith.sitofp %convert_element_type3A_24 : vector<64x2048xi32> to vector<64x2048xf32>
    %dot_general3A_26 = arith.constant dense<0.000000e+00> : vector<32x2048xf32>
    %dot_general3A_27 = tpu.matmul %get3A_4, %convert_element_type3A_25, %dot_general3A_26 {dimension_numbers = #tpu.dot_dimension_numbers<[0], [0], [1], [1], [0, 1, 1, 1], [], []>, transpose_lhs_hint = false} : vector<64x32xf32>, vector<64x2048xf32>, vector<32x2048xf32> -> vector<32x2048xf32>
    %get3A_28 = arith.constant 1 : index
    %get3A_29 = arith.constant 0 : index
    %get3A_30 = vector.load %arg3[%get3A_28, %get3A_29] : memref<4x2048xf32, #tpu.memory_space<vmem>>, vector<1x2048xf32>
    %add3A_31 = arith.addf %get3A_1, %dot_general3A_27 : vector<32x2048xf32>
    %max3A_32 = arith.constant 0.000000e+00 : f32
    %max3A_33 = vector.broadcast %max3A_32 : f32 to vector<32x2048xf32>
    %max3A_34 = arith.maximumf %add3A_31, %max3A_33 : vector<32x2048xf32>
    %mul3A_35 = vector.broadcast %get3A_30 : vector<1x2048xf32> to vector<32x2048xf32>
    %mul3A_36 = arith.mulf %mul3A_35, %max3A_34 : vector<32x2048xf32>
    %add3A_37 = arith.addf %add3A_18, %mul3A_36 : vector<32x2048xf32>
    %get3A_38 = arith.constant 2 : index
    %get3A_39 = arith.constant 0 : index
    %get3A_40 = vector.load %arg2[%get3A_38, %get3A_39] : memref<4x2048xi32, #tpu.memory_space<vmem>>, vector<1x2048xi32>
    %eq3A_41 = vector.broadcast %get3A_40 : vector<1x2048xi32> to vector<64x2048xi32>
    %eq3A_42 = arith.cmpi eq, %iota3A, %eq3A_41 : vector<64x2048xi32>
    %convert_element_type3A_43 = arith.extui %eq3A_42 : vector<64x2048xi1> to vector<64x2048xi32>
    %convert_element_type3A_44 = arith.sitofp %convert_element_type3A_43 : vector<64x2048xi32> to vector<64x2048xf32>
    %dot_general3A_45 = arith.constant dense<0.000000e+00> : vector<32x2048xf32>
    %dot_general3A_46 = tpu.matmul %get3A_4, %convert_element_type3A_44, %dot_general3A_45 {dimension_numbers = #tpu.dot_dimension_numbers<[0], [0], [1], [1], [0, 1, 1, 1], [], []>, transpose_lhs_hint = false} : vector<64x32xf32>, vector<64x2048xf32>, vector<32x2048xf32> -> vector<32x2048xf32>
    %get3A_47 = arith.constant 2 : index
    %get3A_48 = arith.constant 0 : index
    %get3A_49 = vector.load %arg3[%get3A_47, %get3A_48] : memref<4x2048xf32, #tpu.memory_space<vmem>>, vector<1x2048xf32>
    %add3A_50 = arith.addf %get3A_1, %dot_general3A_46 : vector<32x2048xf32>
    %max3A_51 = arith.constant 0.000000e+00 : f32
    %max3A_52 = vector.broadcast %max3A_51 : f32 to vector<32x2048xf32>
    %max3A_53 = arith.maximumf %add3A_50, %max3A_52 : vector<32x2048xf32>
    %mul3A_54 = vector.broadcast %get3A_49 : vector<1x2048xf32> to vector<32x2048xf32>
    %mul3A_55 = arith.mulf %mul3A_54, %max3A_53 : vector<32x2048xf32>
    %add3A_56 = arith.addf %add3A_37, %mul3A_55 : vector<32x2048xf32>
    %get3A_57 = arith.constant 0 : index
    %get3A_58 = arith.constant 0 : index
    %get3A_59 = vector.load %arg5[%get3A_57, %get3A_58] : memref<32x16xf32, #tpu.memory_space<vmem>>, vector<32x16xf32>
    %dot_general3A_60 = arith.constant dense<0.000000e+00> : vector<16x2048xf32>
    %dot_general3A_61 = tpu.matmul %get3A_59, %add3A_56, %dot_general3A_60 {dimension_numbers = #tpu.dot_dimension_numbers<[0], [0], [1], [1], [0, 1, 1, 1], [], []>, transpose_lhs_hint = false} : vector<32x16xf32>, vector<32x2048xf32>, vector<16x2048xf32> -> vector<16x2048xf32>
    %get3A_62 = arith.constant 0 : index
    %get3A_63 = arith.constant 0 : index
    %get3A_64 = vector.load %arg6[%get3A_62, %get3A_63] : memref<16x1xf32, #tpu.memory_space<vmem>>, vector<16x1xf32>
    %add3A_65 = vector.broadcast %get3A_64 : vector<16x1xf32> to vector<16x2048xf32>
    %add3A_66 = arith.addf %dot_general3A_61, %add3A_65 : vector<16x2048xf32>
    %swap3A = arith.constant 0 : index
    %swap3A_67 = arith.constant 0 : index
    %swap3A_68 = vector.load %arg7[%swap3A, %swap3A_67] : memref<16x2048xf32, #tpu.memory_space<vmem>>, vector<16x2048xf32>
    tpu.vector_store %arg7[%swap3A, %swap3A_67], %add3A_66 {strides = array<i32>} : memref<16x2048xf32, #tpu.memory_space<vmem>>, vector<16x2048xf32>,
    return
  }
  func.func @transform_0(%arg0: i32) -> (i32, i32) {
    %c0_i32 = arith.constant 0 : i32
    %c0_i32_0 = arith.constant 0 : i32
    return %c0_i32, %arg0 : i32, i32
  }
  func.func @transform_1(%arg0: i32) -> (i32, i32) {
    %c0_i32 = arith.constant 0 : i32
    %c0_i32_0 = arith.constant 0 : i32
    return %c0_i32, %arg0 : i32, i32
  }
  func.func @transform_2(%arg0: i32) -> (i32, i32) {
    %c0_i32 = arith.constant 0 : i32
    %c0_i32_0 = arith.constant 0 : i32
    return %c0_i32, %arg0 : i32, i32
  }
  func.func @transform_3(%arg0: i32) -> (i32, i32) {
    %c0_i32 = arith.constant 0 : i32
    %c0_i32_0 = arith.constant 0 : i32
    %c0_i32_1 = arith.constant 0 : i32
    return %c0_i32, %c0_i32_0 : i32, i32
  }
  func.func @transform_4(%arg0: i32) -> (i32, i32) {
    %c0_i32 = arith.constant 0 : i32
    %c0_i32_0 = arith.constant 0 : i32
    %c0_i32_1 = arith.constant 0 : i32
    return %c0_i32, %c0_i32_0 : i32, i32
  }
  func.func @transform_5(%arg0: i32) -> (i32, i32) {
    %c0_i32 = arith.constant 0 : i32
    %c0_i32_0 = arith.constant 0 : i32
    %c0_i32_1 = arith.constant 0 : i32
    return %c0_i32, %c0_i32_0 : i32, i32
  }
  func.func @transform_6(%arg0: i32) -> (i32, i32) {
    %c0_i32 = arith.constant 0 : i32
    %c0_i32_0 = arith.constant 0 : i32
    return %c0_i32, %arg0 : i32, i32
  }
}

</mosaic_0001>

<sc_bundles>
// kernel: kernel.5.cloned.1.call-start
scs
__scs_entry_jumppad:
0x0: {  	(pc) =	sbr.rel $0x88, $3  }
0x1: {  	(tag) =	ssettag $0x0;
	lr =	simm.s32 $0x1  }
0x2: {  	[smem:$0x3F9B] =	sst lr;
	_ =	strace $0xD0000000  }
0x3: {  	_ = 	snop  }
0x4: {  	_ = 	snop  }
0x5: {  	_ = 	snop  }
0x6: {  	_ = 	snop  }
0x7: {  	_ = 	snop  }
__scs_overlays_trampoline_lowered:
0x8: {  	[smem:$0x3FAA] =	sst s0  }
0x9: {  	[smem:$0x3FAB] =	sst s1  }
0xa: {  	[smem:$0x3FAC] =	sst s2  }
0xb: {  	[smem:$0x3FAD] =	sst s3  }
0xc: {  	[smem:$0x3FAE] =	sst s4  }
0xd: {  	[smem:$0x3FAF] =	sst s5  }
0xe: {  	[smem:$0x3FB0] =	sst s6  }
0xf: {  	[smem:$0x3FB1] =	sst s7  }
0x10: {  	[smem:$0x3FB2] =	sst s8  }
0x11: {  	[smem:$0x3FB3] =	sst s9;
	s0 =	simm.s32 @!p0 $0x0  }
0x12: {  	s1 =	sld [smem:$0x3F99];
	s0 =	simm.s32 @p0 $0x1  }
0x13: {  	[smem:$0x3FB4] =	sst s0;
	s0 =	simm.s32 @!p1 $0x0  }
0x14: {  	s2 =	sld [smem:$0x3F98];
	s0 =	simm.s32 @p1 $0x1  }
0x15: {  	[smem:$0x3FB5] =	sst s0;
	s0 =	simm.s32 @!p2 $0x0  }
0x16: {  	s3 =	sld [smem:$0x3FDB];
	s0 =	simm.s32 @p2 $0x1  }
0x17: {  	s4 =	simm.s32 $0x1BF5;
	[smem:$0x3FB7] =	sst s0  }
0x18: {  	s0 =	sld [smem:$0x3F9A];
	_ =	swait.ge [sflag:s4], $0x0  }
0x19: {  	s7 =	sld [smem:$0x3F9B]  }
0x1a: {  	s8 =	sadd.s32 $0xFFFFE003, lr  }
0x1b: {  	s9 =	sadd.s32 $0xFFFFFEF7, lr;
	s5 =	simm.s32 $0xFFFFFFFF;
	p2 =	slt.u32 s8, $0xFFFFF086  }
0x1c: {  	p1 =	slt.u32 s9, $0xF7A;
	s5 =	simm.s32 @!p2 $0x0  }
0x1d: {  	s5 =	simm.s32 @p1 $0x1;
	p0 =	seq.s32 s7, s2  }
0x1e: {  	s7 =	smul.u32 @!p0 $0xF7A, s2;
	p2 =	seq.s32 @!p0 s5, $0x0  }
0x1f: {  	s9 =	smul.u32 $0xF7A, s1;
	s8 =	simm.s32 @!p0 $0x1BF5;
	p2 =	por !p2, p0  }
0x20: {  	[sflag:s8] =	ssyncset.s32 @!p0 $0xFFFFF086;
	s6 =	sadd.s32 @!p0 s3, s7;
	s7 =	simm.s32 @!p0 $0x108  }
0x21: {  	s3 =	sadd.s32 s3, s9;
	s6 =	sadd.s32 @!p0 $0x88, s6;
	s7 =	simm.s32 @p2 $0x1082  }
0x22: {  	[simem:s7], [sflag:s8] =	dma.local @!p0 [hbm:s6], $0xF7A  }
0x23: {  	s9 =	sor.u32 $0xD0000000, s2;
	s6 =	simm.s32 $0x108;
	_ =	swait.ge @!p0 [sflag:s8], $0x0  }
0x24: {  	s3 =	sadd.s32 $0x88, s3;
	s6 =	simm.s32 @!p1 $0x1082;
	[sflag:s4] =	ssyncset.s32 $0xFFFFF086  }
0x25: {  	[simem:s6], [sflag:s4] =	dma.local [hbm:s3], $0xF7A  }
0x26: {  	[smem:$0x3F9B] =	sst s1;
	(tag) =	ssettag s2;
	_ =	strace s9  }
0x27: {  	s1 =	sld [smem:$0x3FAB]  }
0x28: {  	s2 =	sld [smem:$0x3FAC]  }
0x29: {  	s4 =	sld [smem:$0x3FAE]  }
0x2a: {  	p0 =	seq.s32 s5, $0x0;
	s5 =	sld [smem:$0x3FAF]  }
0x2b: {  	s6 =	sld [smem:$0x3FB0]  }
0x2c: {  	s7 =	sld [smem:$0x3FB1]  }
0x2d: {  	s3 =	simm.s32 $0x108;
	s8 =	sld [smem:$0x3FB2]  }
0x2e: {  	s3 =	simm.s32 @!p0 $0x1082;
	s9 =	sld [smem:$0x3FB3]  }
0x2f: {  	lr =	sadd.s32 s0, s3;
	s0 =	sld [smem:$0x3FAA]  }
0x30: {  	s3 =	sld [smem:$0x3FAD]  }
0x31: {  	[smem:$0x3FB6] =	sst s10  }
0x32: {  	s10 =	sld [smem:$0x3FB4];
	_ =	sdelay $0x3  }
0x33: {  	p0 =	seq.s32 s10, $0x1;
	s10 =	sld [smem:$0x3FB6];
	_ =	sdelay $0x3  }
0x34: {  	[smem:$0x3FB6] =	sst s10  }
0x35: {  	s10 =	sld [smem:$0x3FB5];
	_ =	sdelay $0x3  }
0x36: {  	p1 =	seq.s32 s10, $0x1;
	s10 =	sld [smem:$0x3FB6];
	_ =	sdelay $0x3  }
0x37: {  	[smem:$0x3FB6] =	sst s10  }
0x38: {  	s10 =	sld [smem:$0x3FB7]  }
0x39: {  	_ = 	snop;
	(pc) =	sbr.ind lr, $3  }
0x3a: {  	_ = 	snop  }
0x3b: {  	_ = 	snop  }
0x3c: {  	p2 =	seq.s32 s10, $0x1;
	s10 =	sld [smem:$0x3FB6]  }
0x3d: {  	_ =	shalt  }
0x3e: {  	_ =	shalt  }
0x3f: {  	_ =	shalt  }
0x40: {  	_ =	shalt  }
0x41: {  	_ =	shalt  }
0x42: {  	_ =	shalt  }
0x43: {  	_ =	shalt  }
0x44: {  	_ =	shalt  }
0x45: {  	_ =	shalt  }
0x46: {  	_ =	shalt  }
0x47: {  	_ =	shalt  }
0x48: {  	_ =	shalt  }
0x49: {  	_ =	shalt  }
0x4a: {  	_ =	shalt  }
0x4b: {  	_ =	shalt  }
0x4c: {  	_ =	shalt  }
0x4d: {  	_ =	shalt  }
0x4e: {  	_ =	shalt  }
0x4f: {  	_ =	shalt  }
0x50: {  	_ =	shalt  }
0x51: {  	_ =	shalt  }
0x52: {  	_ =	shalt  }
0x53: {  	_ =	shalt  }
0x54: {  	_ =	shalt  }
0x55: {  	_ =	shalt  }
0x56: {  	_ =	shalt  }
0x57: {  	_ =	shalt  }
0x58: {  	_ =	shalt  }
0x59: {  	_ =	shalt  }
0x5a: {  	_ =	shalt  }
0x5b: {  	_ =	shalt  }
0x5c: {  	_ =	shalt  }
0x5d: {  	_ =	shalt  }
0x5e: {  	_ =	shalt  }
0x5f: {  	_ =	shalt  }
0x60: {  	_ =	shalt  }
0x61: {  	_ =	shalt  }
0x62: {  	_ =	shalt  }
0x63: {  	_ =	shalt  }
0x64: {  	_ =	shalt  }
0x65: {  	_ =	shalt  }
0x66: {  	_ =	shalt  }
0x67: {  	_ =	shalt  }
0x68: {  	_ =	shalt  }
0x69: {  	_ =	shalt  }
0x6a: {  	_ =	shalt  }
0x6b: {  	_ =	shalt  }
0x6c: {  	_ =	shalt  }
0x6d: {  	_ =	shalt  }
0x6e: {  	_ =	shalt  }
0x6f: {  	_ =	shalt  }
0x70: {  	_ =	shalt  }
0x71: {  	_ =	shalt  }
0x72: {  	_ =	shalt  }
0x73: {  	_ =	shalt  }
0x74: {  	_ =	shalt  }
0x75: {  	_ =	shalt  }
0x76: {  	_ =	shalt  }
0x77: {  	_ =	shalt  }
0x78: {  	_ =	shalt  }
0x79: {  	_ =	shalt  }
0x7a: {  	_ =	shalt  }
0x7b: {  	_ =	shalt  }
0x7c: {  	_ =	shalt  }
0x7d: {  	_ =	shalt  }
0x7e: {  	_ =	shalt  }
0x7f: {  	_ =	shalt  }
0x80: {  	_ =	shalt  }
0x81: {  	_ =	shalt  }
0x82: {  	_ =	shalt  }
0x83: {  	_ =	shalt  }
0x84: {  	_ =	shalt  }
0x85: {  	_ =	shalt  }
0x86: {  	_ =	shalt  }
0x87: {  	_ =	shalt  }
.Lfunc_end0:
.L_simem_size_0:
called_computation_lowered:
.L_overlay_start_0:
0x88: {  	s2 =	sld [smem:$0x3FD9]  }
0x89: {  	s3 =	sld [smem:$0x3FFE];
	_ =	sdelay $0x1  }
0x8a: {  	s1 =	srdreg.scid  }
0x8b: {  	s0 =	sand.u32 $0x1, s1  }
0x8c: {  	s17 =	sshll.u32 s0, $0xA;
	s2 =	sadd.s32 s3, s2  }
0x8d: {  	s2 =	sadd.s32 s2, s17  }
0x8e: {  	[smem:$0x3FC2] =	sst s2  }
0x8f: {  	_ = 	snop  }
0x90: {  	s2 =	sld [smem:$0x3FD0];
	(tm) =	ssettm $0x1  }
0x91: {  	s18 =	sld [smem:$0x3FFB];
	_ =	sdelay $0x3  }
0x92: {  	_ =	strace s18  }
0x93: {  	s3 =	sld [smem:$0x3FFC];
	_ =	sdelay $0x3  }
0x94: {  	_ =	strace s3  }
0x95: {  	s3 =	sld [smem:$0x3FFD];
	_ =	sdelay $0x3  }
0x96: {  	_ =	strace s3  }
0x97: {  	_ =	strace $0x8FFFFFFF  }
0x98: {  	s19 =	sld [smem:$0x3FDB];
	_ =	sdelay $0x1  }
0x99: {  	s4 =	simm.s32 $_scs_section_size  }
0x9a: {  	s5 =	simm.s32 $_size__tile_overlayer_lowered;
	s6 =	simm.s32 $_tile_overlayer_lowered  }
0x9b: {  	s22 =	simm.s32 $0x1BFF;
	s21 =	sshll.u32 s6, $0x1;
	s3 =	sadd.s32 s4, s19  }
0x9c: {  	s7 =	simm.s32 $0x0;
	s20 =	sshll.u32 s5, $0x1;
	s5 =	sadd.s32 s21, s3  }
0x9d: {  	[timem:s7], [sflag:s22] =	dma.local [hbm:s5], s20  }
0x9e: {  	_ =	swait.ge [sflag:s22], s20  }
0x9f: {  	s4 =	ssub.s32 $0x0, s20;
	[sflag:s22] =	ssyncset.done $0x0  }
0xa0: {  	[sflag:s22] =	ssyncadd.s32 s4;
	_ =	sdelay $0x1  }
0xa1: {  	s23 =	simm.s32 $0x1B8B  }
0xa2: {  	_ =	swait.ge [sflag:s23], $0x1  }
0xa3: {  	[sflag:s23] =	ssyncset.done $0x0  }
0xa4: {  	s25 =	simm.s32 $0x1B8E;
	s24 =	sld [smem:$0x3FFE];
	[sflag:s23] =	ssyncadd.s32 $0xFFFFFFFF  }
0xa5: {  	s26 =	simm.s32 $execute0_lowered;
	[smem:$0x3FD2] =	sst s25  }
0xa6: {  	s5 =	sshll.u32 s26, $0x1;
	_ =	strace $0x80000046;
	[dreg:$0x1] =	wrdreg $0xFFFFFFFF  }
0xa7: {  	s28 =	simm.s32 $_size_execute0_lowered;
	s3 =	sadd.s32 s3, s5;
	[dreg:$0x0] =	wrdreg $0x0  }
0xa8: {  	s5 =	sshll.u32 s28, $0x1;
	[dreg:$0x2] =	wrdreg s3  }
0xa9: {  	[dreg:$0x3] =	wrdreg s5  }
0xaa: {  	[dreg:$0x4] =	wrdreg $0xC0  }
0xab: {  	_ =	task [dreg:s7], $0x5FFFF  }
0xac: {  	[dreg:$0x1] =	wrdreg $0xFFFFFFFF  }
0xad: {  	[dreg:$0x0] =	wrdreg $0x60  }
0xae: {  	[dreg:$0x2] =	wrdreg s24  }
0xaf: {  	[dreg:$0x3] =	wrdreg s2  }
0xb0: {  	[dreg:$0x4] =	wrdreg $0x9  }
0xb1: {  	_ =	task.clear_ibuf [dreg:s7], $0x5FFFF;
	_ =	strace $0x90000046  }
0xb2: {  	s29 =	simm.s32 $0x9;
	_ =	strace $0x80000048  }
0xb3: {  	_ =	swait.ge [sflag:s29], $0x1  }
0xb4: {  	[sflag:s29] =	ssyncadd.s32 $0xFFFFFFFF  }
0xb5: {  	_ =	strace $0x90000048  }
0xb6: {  	_ =	sfence  }
0xb7: {  	s30 =	sld [smem:$0x0];
	_ =	sdelay $0x2  }
0xb8: {  	s31 =	sshll.u32 s1, $0xD;
	s1 =	sshrl.u32 s1, $0x2  }
0xb9: {  	s3 =	sand.u32 $0x4000, s31;
	s1 =	sadd.s32 s1, s30  }
0xba: {  	s0 =	sor.u32 s3, s0;
	s1 =	sshll.u32 s1, $0x11  }
0xbb: {  	s0 =	sor.u32 s1, s0  }
0xbc: {  	s0 =	sadd.s32 $0x8F2B, s0  }
0xbd: {  	[sflag:s0] =	ssyncadd.remote.s32 $0x1  }
0xbe: {  	_ =	sfence.sel $0xFFFF  }
0xbf: {  	[dreg:$0x0] =	wrdreg $0xFFFFFFFF;
	(pc) =	sbr.abs _section_cstart, $3  }
0xc0: {  	[dreg:$0x1] =	wrdreg $0xFFFFFFFF  }
0xc1: {  	_ =	task.clear_ibuf [dreg:s7], $0x2FFFF;
	_ =	strace $0x9FFFFFFF  }
0xc2: {  	(tm) =	ssettm $0x7FFFFFFF  }
0xc3: {  	_ =	shalt  }
tec
execute0_lowered:
.L_overlay_start_1:
0x0: {  	(tag) =	ssettag $0x1  }
0x1: {  	s3 =	rddreg [dreg:$0x0]  }
0x2: {  	s4 =	rddreg [dreg:$0x1]  }
0x3: {  	s0 =	rddreg [dreg:$0x2];
	s5 =	srdreg.scid  }
0x4: {  	s1 =	stileid.u32;
	s2 =	simm.s32 $0x0;
	s10 =	simm.s32 $0x2000  }
0x5: {  	s11 =	simm.s32 $0x2200;
	s5 =	sand.u32 $0x1, s5;
	s6 =	sshll.u32 s1, $0x1  }
0x6: {  	s12 =	simm.s32 $0x0;
	[smem:$0x7FF] =	sst s2;
	s6 =	sor.u32 s5, s6  }
0x7: {  	_ =	strace $0x80000047;
	s5 =	ssub.s32 $0x2, s5;
	s7 =	sshll.u32 s6, $0x7  }
0x8: {  	s6 =	sshll.u32 s6, $0x6;
	s8 =	sshrl.u32 s5, $0x1;
	s7 =	sadd.s32 s7, s3  }
0x9: {  	s9 =	sadd.s32 s6, s3;
	s8 =	ssub.s32 s5, s8;
	s4 =	sadd.s32 s4, s6  }
0xa: {  	s3 =	sadd.s32 $0x1A00, s7;
	s5 =	sadd.s32 $0x9A00, s9;
	s6 =	smax.u32 s8, $0x1  }
0xb: {  	v0 =	vimm.s32 $0x0;
	v1 =	vimm.f32 $0.0e+00;
	s7 =	simm.s32 $0x400;
	s8 =	simm.s32 $0x8000;
	s9 =	simm.s32 $0x1  }
.LBB2_1:
0xc: {  	[tilespmem:s2], [sflag:$0x1] =	stream.strided.gather [hbm4b:s3+s7], $0x2000, s8, s7, $0x38;
	[tilespmem:$0x2400] =	vst v63  }
0xd: {  	_ =	swait.ge [sflag:s9], $0x2000  }
0xe: {  	[sflag:s9] =	ssyncset.done $0x0  }
0xf: {  	s13 =	simm.s32 $0x0;
	s14 =	simm.s32 $0x0;
	[sflag:s9] =	ssyncadd.s32 $0xFFFFE000  }
.LBB2_2:
0x10: {  	v6 =	vld [tilespmem:s13+$0x0];
	_ =	sdelay $0x2  }
0x11: {  	v5 =	vimm.f32 $-Inf;
	v3 =	vimm.s32 $0x0  }
0x12: {  	s15 =	sshll.u32 s14, $0x4;
	v7 =	vimm.f32 $-Inf;
	v2 =	vimm.s32 $0x0;
	v8 =	vimm.f32 $-Inf  }
0x13: {  	s16 =	simm.s32 $0x0;
	s17 =	simm.s32 $0x1;
	s18 =	sadd.s32 $0x80, s13;
	v4 =	vimm.s32 $0x0;
	vm0 =	vgt.f32 v6, v5;
	vm1 =	vgt.f32 v6, v5  }
.LBB2_3:
0x14: {  	v9 =	vld [tilespmem:s18+$0x0];
	p0 =	sne.s32 s17, $0x3F;
	vm2 =	vgt.f32 v6, v5;
	v7 =	vsel vm1, v6, v7;
	v3 =	vsel vm1, s16, v3;
	s19 =	smov.u32 s17;
	s17 =	sadd.s32 $0x1, s17  }
.Ltmp0:
0x15: {  	v7 =	vsel vm2, v5, v7;
	v5 =	vsel vm2, v6, v5;
	v10 =	vsel vm2, s16, v2;
	(pc) =	sbr.rel @p0 .LBB2_3-.Ltmp0, $3  }
0x16: {  	v3 =	vsel vm2, v2, v3;
	v5 =	vsel vm0, v8, v5;
	v2 =	vsel vm0, v4, v10  }
0x17: {  	v8 =	vsel vm0, v6, v8;
	v4 =	vsel vm0, s16, v4;
	s16 =	smov.u32 s19;
	_ =	sdelay $0x1  }
0x18: {  	s18 =	sadd.s32 $0x80, s18;
	vm0 =	vgt.f32 v9, v8;
	vm1 =	vgt.f32 v9, v7;
	v6 =	vmov v9  }
0x19: {  	vm2 =	vgt.f32 v6, v5  }
0x1a: {  	v9 =	vsel vm2, v6, v5  }
0x1b: {  	v53 =	vsel vm0, v6, v8;
	v9 =	vsel vm0, v8, v9  }
0x1c: {  	v54 =	vsel vm1, v6, v7;
	v55 =	vsub.f32 v9, v53  }
0x1d: {  	v56 =	vsel vm2, v5, v54  }
0x1e: {  	v5 =	vsub.f32 v56, v53;
	v57 =	vmul.f32 $5.000000000e+00, v55;
	_ =	sdelay $0x1  }
0x1f: {  	v5 =	vmul.f32 $5.000000000e+00, v5;
	v6 =	vmul.f32 $1.442695020e+00, v57;
	_ =	sdelay $0x1  }
0x20: {  	v5 =	vmul.f32 $1.442695020e+00, v5;
	(erf) = vpow2.f32 v6;
	_ =	sdelay $0x1  }
0x21: {  	(erf) = vpow2.f32 v5;
	_ =	sdelay $0x6  }
0x22: {  	v58 =	vpop (erf)  }
0x23: {  	v59 =	vadd.f32 $1.000000000e+00, v58  }
0x24: {  	v60 =	vpop (erf)  }
0x25: {  	v6 =	vadd.f32 v60, v59;
	_ =	sdelay $0x1  }
0x26: {  	(erf) = vrcp.f32 v6;
	_ =	sdelay $0x4  }
0x27: {  	v3 =	vsel vm1, s16, v3  }
0x28: {  	[tilespmem:s15+$0x2180] =	vst v0;
	v61 =	vsel vm2, s16, v2;
	v2 =	vsel vm2, v2, v3  }
0x29: {  	v62 =	vsel vm0, s16, v4;
	s14 =	sadd.s32 $0x1, s14;
	[tilespmem:s15+$0x2380] =	vst v1  }
0x2a: {  	[tilespmem:s15+$0x2000] =	vst v62;
	p0 =	sne.s32 s14, $0x8  }
.Ltmp1:
0x2b: {  	v63 =	vsel vm0, v4, v61;
	[tilespmem:s15+$0x2100] =	vst v2;
	v2 =	vpop (erf);
	(pc) =	sbr.rel @p0 .LBB2_2-.Ltmp1, $4  }
0x2c: {  	[tilespmem:s15+$0x2080] =	vst v63;
	v3 =	vmul.f32 v2, v58  }
0x2d: {  	[tilespmem:s15+$0x2200] =	vst v2;
	v2 =	vmul.f32 v2, v60  }
0x2e: {  	[tilespmem:s15+$0x2280] =	vst v3  }
0x2f: {  	s13 =	sadd.s32 $0x10, s13;
	[tilespmem:s15+$0x2300] =	vst v2  }
0x30: {  	[hbm4b:s4+s2] =	stream.linear.scatter [tilespmem:s10], [sflag:$0x1], $0x200, $0x38;
	[tilespmem:$0x2400] =	vst v63  }
0x31: {  	s12 =	sadd.s32 $0x1, s12;
	_ =	swait.ge [sflag:s9], $0x200  }
0x32: {  	p0 =	sne.s32 s12, s6;
	[sflag:s9] =	ssyncset.done $0x0  }
.Ltmp2:
0x33: {  	[sflag:s9] =	ssyncadd.s32 $0xFFFFFE00;
	(pc) =	sbr.rel @p0 .LBB2_1-.Ltmp2, $4  }
0x34: {  	[hbm4b:s5+s2] =	stream.linear.scatter [tilespmem:s11], [sflag:$0x1], $0x200, $0x38;
	[tilespmem:$0x2400] =	vst v63  }
0x35: {  	_ =	swait.ge [sflag:s9], $0x200  }
0x36: {  	[sflag:s9] =	ssyncset.done $0x0  }
0x37: {  	[sflag:s9] =	ssyncadd.s32 $0xFFFFFE00  }
0x38: {  	_ =	sfence.sel $0x180000  }
0x39: {  	[bflag:$0x0] =	sbarrier.arrive $0xFFFF  }
0x3a: {  	p0 =	sne.s32 s1, $0x0;
	_ =	strace $0x90000047  }
0x3b: {  	s0 =	sadd.s32 @!p0 $0x100000, s0;
	[bflag:$0x2] =	sbarrier.arrive $0xFFFF  }
0x3c: {  	[sflag:s0] =	ssyncadd.tile.s32 @!p0 $0x1;
	_ =	shalt  }
.Lfunc_end2:
_tile_overlayer_lowered:
.L_overlay_start_2:
0x3d: {  	(tag) =	ssettag $0x2  }
0x3e: {  	s0 =	rddreg [dreg:$0x0];
	s2 =	stileid.u32  }
0x3f: {  	s1 =	rddreg [dreg:$0x1];
	p0 =	sne.s32 s2, $0x0  }
0x40: {  	s3 =	rddreg [dreg:$0x2];
	[bflag:$0x3] =	sbarrier.arrive $0xFFFF;
	s2 =	simm.s32 @!p0 $0x1C01  }
0x41: {  	[timem:s3], [sflag:s2] =	dma.local @!p0 [hbm:s0], s1  }
0x42: {  	s0 =	simm.s32 @!p0 $0x1  }
0x43: {  	_ =	swait.ge @!p0 [sflag:s0], s1  }
0x44: {  	s1 =	ssub.s32 @!p0 $0x0, s1;
	[sflag:s0] =	ssyncset.done @!p0 $0x0  }
0x45: {  	[sflag:s0] =	ssyncadd.s32 @!p0 s1  }
0x46: {  	[bflag:$0x3] =	sbarrier.arrive $0xFFFF  }
0x47: {  	_ =	shalt  }

</sc_bundles>
